<compile_context>
chip_gen: v7x
topology: tpu7x:2x2x1
jax: 0.10.2.dev20260603
libtpu: 0.0.44.dev20260713+nightly
codegen_flags: <defaults>
</compile_context>

<pallas_src>
import functools

import jax
import jax.numpy as jnp
from jax import lax
from jax.experimental import pallas as pl
from jax.experimental.pallas import tpu as pltpu
from jax.experimental.pallas import tpu_sc as plsc

_K = 8192
_D = 32
_IN = 256
_CC = 0.25
_EPS = 1e-5
_TB = 512
_KC = 4
_TB2 = 512
_NW = 32
_T = 4096
_BPW = _T // _NW


def _dist_body(x_ref, emb_ref, w1_ref, b1_ref, bn1w_ref, bn1b_ref,
               idx_ref, bsq_ref):
    i = pl.program_id(0)

    @pl.when(i == 0)
    def _precompute():
        e = emb_ref[...]
        bsq_ref[...] = jnp.sum(e * e, axis=1)[None, :]

    xb = x_ref[...]
    sq = jnp.sqrt(jnp.float32(1.0 + _EPS))
    flat = (xb / sq) * bn1w_ref[...] + bn1b_ref[...]
    h = lax.dot_general(flat, w1_ref[...], (((1,), (1,)), ((), ())),
                        preferred_element_type=jnp.float32) + b1_ref[...]
    a = jnp.sum(h * h, axis=1, keepdims=True)
    kc = _K // _KC
    minv = None
    idx = None
    for j in range(_KC):
        cj = lax.dot_general(h, emb_ref[pl.ds(j * kc, kc), :],
                             (((1,), (1,)), ((), ())),
                             preferred_element_type=jnp.float32)
        dj = (a + bsq_ref[:, pl.ds(j * kc, kc)]) - 2.0 * cj
        mj = jnp.min(dj, axis=1, keepdims=True)
        io = lax.broadcasted_iota(jnp.int32, (_TB, kc), 1) + j * kc
        ij = jnp.min(jnp.where(dj == mj, io, _K), axis=1)
        if j == 0:
            minv, idx = mj, ij
        else:
            take = (mj < minv)[:, 0]
            idx = jnp.where(take, ij, idx)
            minv = jnp.minimum(minv, mj)
    idx_ref[...] = idx.reshape(1, 1, _TB)


_sc_mesh = plsc.VectorSubcoreMesh(core_axis_name="c", subcore_axis_name="s")


@functools.partial(
    pl.kernel,
    out_type=[
        jax.ShapeDtypeStruct((_T, 128), jnp.float32),
        jax.ShapeDtypeStruct((2, _K), jnp.float32),
    ],
    mesh=_sc_mesh,
    scratch_types=[
        pltpu.VMEM((_BPW,), jnp.int32),
        pltpu.VMEM((_BPW, 128), jnp.float32),
        pltpu.VMEM((_BPW,), jnp.float32),
        pltpu.VMEM((_K,), jnp.float32),
        pltpu.VMEM_SHARED((_K,), jnp.float32),
        pltpu.SemaphoreType.DMA,
    ],
)
def _sc_gather_hist(idx_hbm, emb_hbm, q_hbm, hist_hbm,
                    idx_v, rows_v, ones_v, zbuf_v, shared, sem):
    s = lax.axis_index("s")
    c = lax.axis_index("c")
    wid = s * 2 + c
    base = wid * _BPW
    pltpu.sync_copy(idx_hbm.at[pl.ds(base, _BPW)], idx_v)
    gather = pltpu.async_copy(emb_hbm.at[idx_v], rows_v, sem)

    zeros16 = jnp.zeros((16,), jnp.float32)
    ones16 = jnp.ones((16,), jnp.float32)

    @pl.when(s == 0)
    def _zero_shared():
        def _zero(j, carry):
            zbuf_v[pl.ds(j * 16, 16)] = zeros16
            return carry

        lax.fori_loop(0, _K // 16, _zero, 0)
        pltpu.sync_copy(zbuf_v, shared)

    for j in range(_BPW // 16):
        ones_v[pl.ds(j * 16, 16)] = ones16
    plsc.subcore_barrier()
    pltpu.sync_copy(ones_v, shared.at[idx_v], add=True)
    plsc.subcore_barrier()

    @pl.when(s == 0)
    def _dump_hist():
        pltpu.sync_copy(shared, hist_hbm.at[c])

    gather.wait()
    pltpu.sync_copy(rows_v, q_hbm.at[pl.ds(base, _BPW)])


def _out_body(x_ref, q_ref, w2_ref, b2_ref, bn2w_ref, bn2b_ref, hist_ref,
              qst_ref, counts_ref, losssum_ref):
    i = pl.program_id(0)
    xb = x_ref[...]
    sq = jnp.sqrt(jnp.float32(1.0 + _EPS))
    qbn = (q_ref[:, :_D] / sq) * bn2w_ref[...] + bn2b_ref[...]
    out = lax.dot_general(qbn, w2_ref[...], (((1,), (1,)), ((), ())),
                          preferred_element_type=jnp.float32) + b2_ref[...]
    qst_ref[...] = xb + (out - xb)
    lpart = jnp.sum((out - xb) ** 2)

    @pl.when(i == 0)
    def _init():
        counts_ref[...] = jnp.sum(hist_ref[...], axis=0, keepdims=True)
        losssum_ref[0, 0] = lpart

    @pl.when(i != 0)
    def _acc():
        losssum_ref[0, 0] += lpart


def kernel(x, emb, W1, b1, W2, b2, bn1_w, bn1_b, bn2_w, bn2_b):
    shape = x.shape
    T = shape[0] * shape[1]
    xf = x.reshape(T, _IN)
    grid = T // _TB
    full = lambda i: (0, 0)
    idx3 = pl.pallas_call(
        _dist_body,
        grid=(grid,),
        in_specs=[
            pl.BlockSpec((_TB, _IN), lambda i: (i, 0)),
            pl.BlockSpec((_K, _D), full),
            pl.BlockSpec((_D, _IN), full),
            pl.BlockSpec((1, _D), full),
            pl.BlockSpec((1, _IN), full),
            pl.BlockSpec((1, _IN), full),
        ],
        out_specs=pl.BlockSpec((1, 1, _TB), lambda i: (i, 0, 0)),
        out_shape=jax.ShapeDtypeStruct((grid, 1, _TB), jnp.int32),
        scratch_shapes=[pltpu.VMEM((1, _K), jnp.float32)],
    )(xf, emb, W1, b1[None, :], bn1_w[None, :], bn1_b[None, :])

    emb128 = jnp.pad(emb, ((0, 0), (0, 128 - _D)))
    q, hist = _sc_gather_hist(idx3.reshape(T), emb128)

    grid2 = T // _TB2
    qst, counts, losssum = pl.pallas_call(
        _out_body,
        grid=(grid2,),
        in_specs=[
            pl.BlockSpec((_TB2, _IN), lambda i: (i, 0)),
            pl.BlockSpec((_TB2, 128), lambda i: (i, 0)),
            pl.BlockSpec((_IN, _D), full),
            pl.BlockSpec((1, _IN), full),
            pl.BlockSpec((1, _D), full),
            pl.BlockSpec((1, _D), full),
            pl.BlockSpec((2, _K), full),
        ],
        out_specs=[
            pl.BlockSpec((_TB2, _IN), lambda i: (i, 0)),
            pl.BlockSpec((1, _K), full),
            pl.BlockSpec(memory_space=pltpu.SMEM),
        ],
        out_shape=[
            jax.ShapeDtypeStruct((T, _IN), jnp.float32),
            jax.ShapeDtypeStruct((1, _K), jnp.float32),
            jax.ShapeDtypeStruct((1, 1), jnp.float32),
        ],
    )(xf, q, W2, b2[None, :], bn2_w[None, :], bn2_b[None, :], hist)
    m = losssum[0, 0] / jnp.float32(T * _IN)
    loss = m + _CC * m
    usage = counts[0] / jnp.float32(T)
    return (loss, qst.reshape(shape), usage, emb)

# --- scband reference (transcript-rebuilt; emitter-appended) ---
"""Pipeline reference for scband-codebook-26714696581530 (READ-ONLY COPY).

The authoritative reference and input builder live on the scoring server;
editing this copy changes nothing except your own understanding.
"""

import jax, jax.numpy as jnp
import numpy as np

K = 8192
D = 32
IN = 256
CC = 0.25
EPS = 1e-5


def setup_inputs(seed: int = 0) -> dict:
    key = jax.random.key(seed)
    ks = jax.random.split(key, 6)
    x = jax.random.normal(ks[0], (4, 1024, 256), dtype=jnp.float32)
    emb = jax.random.uniform(ks[1], (K, D), dtype=jnp.float32, minval=-1.0 / K, maxval=1.0 / K)
    W1 = jax.random.normal(ks[2], (D, IN), dtype=jnp.float32) * (1.0 / np.sqrt(IN))
    b1 = jnp.zeros((D,), dtype=jnp.float32)
    W2 = jax.random.normal(ks[3], (IN, D), dtype=jnp.float32) * (1.0 / np.sqrt(D))
    b2 = jnp.zeros((IN,), dtype=jnp.float32)
    bn1_w = jnp.ones((IN,), dtype=jnp.float32)
    bn1_b = jnp.zeros((IN,), dtype=jnp.float32)
    bn2_w = jnp.ones((D,), dtype=jnp.float32)
    bn2_b = jnp.zeros((D,), dtype=jnp.float32)
    return {"x": x, "emb": emb, "W1": W1, "b1": b1, "W2": W2, "b2": b2,
            "bn1_w": bn1_w, "bn1_b": bn1_b, "bn2_w": bn2_w, "bn2_b": bn2_b}


def reference(x, emb, W1, b1, W2, b2, bn1_w, bn1_b, bn2_w, bn2_b):
    # eval-mode module: dropout = identity, BatchNorm uses running stats
    # (running_mean=0, running_var=1 at init) -> affine-only normalization.
    input_shape = x.shape
    flat = x.reshape(-1, IN)
    flat = (flat / jnp.sqrt(1.0 + EPS)) * bn1_w + bn1_b
    h = flat @ W1.T + b1  # linear1: [T, D]
    # squared L2 distances to every codebook vector
    distances = (jnp.sum(h ** 2, axis=1, keepdims=True)
                 + jnp.sum(emb ** 2, axis=1)
                 - 2.0 * (h @ emb.T))  # [T, K]
    encoding_indices = jnp.argmin(distances, axis=1)  # [T]
    encodings = jax.nn.one_hot(encoding_indices, K, dtype=jnp.float32)  # [T, K]
    quantized = encodings @ emb  # [T, D] (gather via one-hot matmul, as in torch)
    quantized = (quantized / jnp.sqrt(1.0 + EPS)) * bn2_w + bn2_b
    quantized = (quantized @ W2.T + b2).reshape(input_shape)
    e_latent_loss = jnp.mean((jax.lax.stop_gradient(quantized) - x) ** 2)
    q_latent_loss = jnp.mean((quantized - jax.lax.stop_gradient(x)) ** 2)
    loss = q_latent_loss + CC * e_latent_loss
    quantized_st = x + jax.lax.stop_gradient(quantized - x)
    usage = jnp.mean(encodings, axis=0)
    codebook = emb
    return (loss, quantized_st, usage, codebook)

if __name__ == "__main__":
    import jax
    _d = setup_inputs()
    print(jax.jit(kernel)(*tuple(_d.values())))

</pallas_src>

<mosaic_0001>
#map = affine_map<(d0, d1) -> (0)>
#map1 = affine_map<(d0, d1) -> (0, 0)>
module attributes {stable_mosaic.version = 14 : i64} {
  func.func @_sc_gather_hist(%arg0: i32, %arg1: i32, %arg2: memref<4096xi32, #tpu.memory_space<hbm>>, %arg3: memref<8192x128xf32, #tpu.memory_space<hbm>>, %arg4: memref<4096x128xf32, #tpu.memory_space<hbm>>, %arg5: memref<2x8192xf32, #tpu.memory_space<hbm>>, %arg6: memref<128xi32, #tpu.memory_space<vmem>>, %arg7: memref<128x128xf32, #tpu.memory_space<vmem>>, %arg8: memref<128xf32, #tpu.memory_space<vmem>>, %arg9: memref<8192xf32, #tpu.memory_space<vmem>>, %arg10: memref<8192xf32, #tpu.memory_space<vmem_shared>>, %arg11: memref<!tpu.dma_semaphore, #tpu.memory_space<semaphore_mem>>) attributes {dimension_semantics = [#tpu.dimension_semantics<core_parallel>, #tpu.dimension_semantics<subcore_parallel>], iteration_bounds = array<i64: 2, 16>, scalar_prefetch = 0 : i64, scratch_operands = 6 : i64, tpu.core_type = #tpu.core_type<sc_vector_subcore>, window_params = [{transform_indices = #map}, {transform_indices = #map1}, {transform_indices = #map1}, {transform_indices = #map1}]} {
    %mul3A = arith.constant 2 : i32
    %mul3A_0 = arith.muli %arg1, %mul3A : i32
    %add3A = arith.addi %mul3A_0, %arg0 : i32
    %mul3A_1 = arith.constant 128 : i32
    %mul3A_2 = arith.muli %add3A, %mul3A_1 : i32
    "tpu.region"() ({
      %run_scoped3A = tpu.sem_alloc : memref<!tpu.dma_semaphore, #tpu.memory_space<semaphore_mem>>
      %dma_start3A_49 = tpu.memref_slice %arg2[%mul3A_2] : memref<4096xi32, #tpu.memory_space<hbm>> -> memref<128xi32, #tpu.memory_space<hbm>>
      %dma_start3A_50 = tpu.memref_slice %arg2[%mul3A_2] : memref<4096xi32, #tpu.memory_space<hbm>> -> memref<128xi32, #tpu.memory_space<hbm>>
      tpu.enqueue_dma source(%dma_start3A_50 : memref<128xi32, #tpu.memory_space<hbm>>) target(%arg6 : memref<128xi32, #tpu.memory_space<vmem>>) target_semaphore(%run_scoped3A : memref<!tpu.dma_semaphore, #tpu.memory_space<semaphore_mem>>)
      %dma_wait3A_51 = tpu.memref_slice %arg2[%mul3A_2] : memref<4096xi32, #tpu.memory_space<hbm>> -> memref<128xi32, #tpu.memory_space<hbm>>
      %dma_wait3A_52 = tpu.memref_slice %arg2[%mul3A_2] : memref<4096xi32, #tpu.memory_space<hbm>> -> memref<128xi32, #tpu.memory_space<hbm>>
      tpu.wait_dma2 semaphore(%run_scoped3A : memref<!tpu.dma_semaphore, #tpu.memory_space<semaphore_mem>>) src(%dma_wait3A_52 : memref<128xi32, #tpu.memory_space<hbm>>) dst(%arg6 : memref<128xi32, #tpu.memory_space<vmem>>)
      tpu.yield
    }) : () -> ()
    %dma_start3A = arith.constant 0 : i32
    %dma_start3A_3 = arith.constant 0 : i32
    %dma_start3A_4 = tpu.memref_slice %arg3[%dma_start3A, %dma_start3A_3] : memref<8192x128xf32, #tpu.memory_space<hbm>> -> memref<8192x128xf32, #tpu.memory_space<hbm>>
    tpu.enqueue_indirect_dma source(%dma_start3A_4 : memref<8192x128xf32, #tpu.memory_space<hbm>>) target(%arg7 : memref<128x128xf32, #tpu.memory_space<vmem>>) offsets(%arg6 : memref<128xi32, #tpu.memory_space<vmem>>) semaphore(%arg11 : memref<!tpu.dma_semaphore, #tpu.memory_space<semaphore_mem>>)
    %broadcast_in_dim3A = arith.constant 0.000000e+00 : f32
    %broadcast_in_dim3A_5 = vector.broadcast %broadcast_in_dim3A : f32 to vector<16xf32>
    %broadcast_in_dim3A_6 = arith.constant 1.000000e+00 : f32
    %broadcast_in_dim3A_7 = vector.broadcast %broadcast_in_dim3A_6 : f32 to vector<16xf32>
    %eq3A = arith.constant 0 : i32
    %eq3A_8 = arith.cmpi eq, %arg1, %eq3A : i32
    %convert_element_type3A = arith.extui %eq3A_8 : i1 to i32
    %cond3A = arith.constant 0 : i32
    %cond3A_9 = arith.cmpi ne, %convert_element_type3A, %cond3A : i32
    scf.if %cond3A_9 {
      %scan3A = arith.constant 0 : i32
      %scan3A_49 = arith.constant 0 : i32
      %scan3A_50 = arith.constant 512 : i32
      %scan3A_51 = arith.addi %scan3A_49, %scan3A_50 : i32
      %scan3A_52 = arith.constant 1 : i32
      scf.for %scan3A_54 = %scan3A_49 to %scan3A_51 step %scan3A_52  : i32 {
        %mul3A_55 = arith.constant 16 : i32
        %mul3A_56 = arith.muli %scan3A_54, %mul3A_55 : i32
        %swap3A_57 = arith.index_cast %mul3A_56 : i32 to index
        %swap3A_58 = tpu.vector_load %arg9[%swap3A_57] {strides = array<i32>} : memref<8192xf32, #tpu.memory_space<vmem>>, vector<16xf32>,
        %swap3A_59 = vector.shape_cast %swap3A_58 : vector<16xf32> to vector<16xf32>
        %swap3A_60 = vector.shape_cast %broadcast_in_dim3A_5 : vector<16xf32> to vector<16xf32>
        tpu.vector_store %arg9[%swap3A_57], %swap3A_60 {strides = array<i32>} : memref<8192xf32, #tpu.memory_space<vmem>>, vector<16xf32>,
      }
      %scan3A_53 = arith.constant 512 : i32
      "tpu.region"() ({
        %run_scoped3A = tpu.sem_alloc : memref<!tpu.dma_semaphore, #tpu.memory_space<semaphore_mem>>
        tpu.enqueue_dma source(%arg9 : memref<8192xf32, #tpu.memory_space<vmem>>) target(%arg10 : memref<8192xf32, #tpu.memory_space<vmem_shared>>) target_semaphore(%run_scoped3A : memref<!tpu.dma_semaphore, #tpu.memory_space<semaphore_mem>>)
        tpu.wait_dma2 semaphore(%run_scoped3A : memref<!tpu.dma_semaphore, #tpu.memory_space<semaphore_mem>>) src(%arg9 : memref<8192xf32, #tpu.memory_space<vmem>>) dst(%arg10 : memref<8192xf32, #tpu.memory_space<vmem_shared>>)
        tpu.yield
      }) : () -> ()
    } else {
    }
    %swap3A = arith.constant 0 : index
    %swap3A_10 = tpu.vector_load %arg8[%swap3A] {strides = array<i32>} : memref<128xf32, #tpu.memory_space<vmem>>, vector<16xf32>,
    %swap3A_11 = vector.shape_cast %swap3A_10 : vector<16xf32> to vector<16xf32>
    %swap3A_12 = vector.shape_cast %broadcast_in_dim3A_7 : vector<16xf32> to vector<16xf32>
    tpu.vector_store %arg8[%swap3A], %swap3A_12 {strides = array<i32>} : memref<128xf32, #tpu.memory_space<vmem>>, vector<16xf32>,
    %swap3A_13 = arith.constant 16 : index
    %swap3A_14 = tpu.vector_load %arg8[%swap3A_13] {strides = array<i32>} : memref<128xf32, #tpu.memory_space<vmem>>, vector<16xf32>,
    %swap3A_15 = vector.shape_cast %swap3A_14 : vector<16xf32> to vector<16xf32>
    %swap3A_16 = vector.shape_cast %broadcast_in_dim3A_7 : vector<16xf32> to vector<16xf32>
    tpu.vector_store %arg8[%swap3A_13], %swap3A_16 {strides = array<i32>} : memref<128xf32, #tpu.memory_space<vmem>>, vector<16xf32>,
    %swap3A_17 = arith.constant 32 : index
    %swap3A_18 = tpu.vector_load %arg8[%swap3A_17] {strides = array<i32>} : memref<128xf32, #tpu.memory_space<vmem>>, vector<16xf32>,
    %swap3A_19 = vector.shape_cast %swap3A_18 : vector<16xf32> to vector<16xf32>
    %swap3A_20 = vector.shape_cast %broadcast_in_dim3A_7 : vector<16xf32> to vector<16xf32>
    tpu.vector_store %arg8[%swap3A_17], %swap3A_20 {strides = array<i32>} : memref<128xf32, #tpu.memory_space<vmem>>, vector<16xf32>,
    %swap3A_21 = arith.constant 48 : index
    %swap3A_22 = tpu.vector_load %arg8[%swap3A_21] {strides = array<i32>} : memref<128xf32, #tpu.memory_space<vmem>>, vector<16xf32>,
    %swap3A_23 = vector.shape_cast %swap3A_22 : vector<16xf32> to vector<16xf32>
    %swap3A_24 = vector.shape_cast %broadcast_in_dim3A_7 : vector<16xf32> to vector<16xf32>
    tpu.vector_store %arg8[%swap3A_21], %swap3A_24 {strides = array<i32>} : memref<128xf32, #tpu.memory_space<vmem>>, vector<16xf32>,
    %swap3A_25 = arith.constant 64 : index
    %swap3A_26 = tpu.vector_load %arg8[%swap3A_25] {strides = array<i32>} : memref<128xf32, #tpu.memory_space<vmem>>, vector<16xf32>,
    %swap3A_27 = vector.shape_cast %swap3A_26 : vector<16xf32> to vector<16xf32>
    %swap3A_28 = vector.shape_cast %broadcast_in_dim3A_7 : vector<16xf32> to vector<16xf32>
    tpu.vector_store %arg8[%swap3A_25], %swap3A_28 {strides = array<i32>} : memref<128xf32, #tpu.memory_space<vmem>>, vector<16xf32>,
    %swap3A_29 = arith.constant 80 : index
    %swap3A_30 = tpu.vector_load %arg8[%swap3A_29] {strides = array<i32>} : memref<128xf32, #tpu.memory_space<vmem>>, vector<16xf32>,
    %swap3A_31 = vector.shape_cast %swap3A_30 : vector<16xf32> to vector<16xf32>
    %swap3A_32 = vector.shape_cast %broadcast_in_dim3A_7 : vector<16xf32> to vector<16xf32>
    tpu.vector_store %arg8[%swap3A_29], %swap3A_32 {strides = array<i32>} : memref<128xf32, #tpu.memory_space<vmem>>, vector<16xf32>,
    %swap3A_33 = arith.constant 96 : index
    %swap3A_34 = tpu.vector_load %arg8[%swap3A_33] {strides = array<i32>} : memref<128xf32, #tpu.memory_space<vmem>>, vector<16xf32>,
    %swap3A_35 = vector.shape_cast %swap3A_34 : vector<16xf32> to vector<16xf32>
    %swap3A_36 = vector.shape_cast %broadcast_in_dim3A_7 : vector<16xf32> to vector<16xf32>
    tpu.vector_store %arg8[%swap3A_33], %swap3A_36 {strides = array<i32>} : memref<128xf32, #tpu.memory_space<vmem>>, vector<16xf32>,
    %swap3A_37 = arith.constant 112 : index
    %swap3A_38 = tpu.vector_load %arg8[%swap3A_37] {strides = array<i32>} : memref<128xf32, #tpu.memory_space<vmem>>, vector<16xf32>,
    %swap3A_39 = vector.shape_cast %swap3A_38 : vector<16xf32> to vector<16xf32>
    %swap3A_40 = vector.shape_cast %broadcast_in_dim3A_7 : vector<16xf32> to vector<16xf32>
    tpu.vector_store %arg8[%swap3A_37], %swap3A_40 {strides = array<i32>} : memref<128xf32, #tpu.memory_space<vmem>>, vector<16xf32>,
    %barrier3A = arith.constant 0 : index
    tpu.barrier barrier_id(%barrier3A)
    "tpu.region"() ({
      %run_scoped3A = tpu.sem_alloc : memref<!tpu.dma_semaphore, #tpu.memory_space<semaphore_mem>>
      %dma_start3A_49 = arith.constant 0 : i32
      %dma_start3A_50 = tpu.memref_slice %arg10[%dma_start3A_49] : memref<8192xf32, #tpu.memory_space<vmem_shared>> -> memref<8192xf32, #tpu.memory_space<vmem_shared>>
      tpu.enqueue_indirect_dma source(%arg8 : memref<128xf32, #tpu.memory_space<vmem>>) target(%dma_start3A_50 : memref<8192xf32, #tpu.memory_space<vmem_shared>>) offsets(%arg6 : memref<128xi32, #tpu.memory_space<vmem>>) semaphore(%run_scoped3A : memref<!tpu.dma_semaphore, #tpu.memory_space<semaphore_mem>>) {add = true}
      %dma_wait3A_51 = arith.constant 0 : i32
      %dma_wait3A_52 = tpu.memref_slice %arg10[%dma_wait3A_51] : memref<8192xf32, #tpu.memory_space<vmem_shared>> -> memref<8192xf32, #tpu.memory_space<vmem_shared>>
      tpu.wait_indirect_dma semaphore(%run_scoped3A : memref<!tpu.dma_semaphore, #tpu.memory_space<semaphore_mem>>) src(%arg8 : memref<128xf32, #tpu.memory_space<vmem>>) dst(%dma_wait3A_52 : memref<8192xf32, #tpu.memory_space<vmem_shared>>)
      tpu.yield
    }) : () -> ()
    %barrier3A_41 = arith.constant 0 : index
    tpu.barrier barrier_id(%barrier3A_41)
    %eq3A_42 = arith.constant 0 : i32
    %eq3A_43 = arith.cmpi eq, %arg1, %eq3A_42 : i32
    %convert_element_type3A_44 = arith.extui %eq3A_43 : i1 to i32
    %cond3A_45 = arith.constant 0 : i32
    %cond3A_46 = arith.cmpi ne, %convert_element_type3A_44, %cond3A_45 : i32
    scf.if %cond3A_46 {
      "tpu.region"() ({
        %run_scoped3A = tpu.sem_alloc : memref<!tpu.dma_semaphore, #tpu.memory_space<semaphore_mem>>
        %dma_start3A_49 = arith.constant 0 : i32
        %dma_start3A_50 = tpu.memref_slice %arg5[%arg0, %dma_start3A_49] : memref<2x8192xf32, #tpu.memory_space<hbm>> -> memref<1x8192xf32, #tpu.memory_space<hbm>>
        %dma_start3A_51 = tpu.memref_squeeze %dma_start3A_50 : memref<1x8192xf32, #tpu.memory_space<hbm>> -> memref<8192xf32, #tpu.memory_space<hbm>>
        tpu.enqueue_dma source(%arg10 : memref<8192xf32, #tpu.memory_space<vmem_shared>>) target(%dma_start3A_51 : memref<8192xf32, #tpu.memory_space<hbm>>) target_semaphore(%run_scoped3A : memref<!tpu.dma_semaphore, #tpu.memory_space<semaphore_mem>>)
        %dma_wait3A_52 = arith.constant 0 : i32
        %dma_wait3A_53 = tpu.memref_slice %arg5[%arg0, %dma_wait3A_52] : memref<2x8192xf32, #tpu.memory_space<hbm>> -> memref<1x8192xf32, #tpu.memory_space<hbm>>
        %dma_wait3A_54 = tpu.memref_squeeze %dma_wait3A_53 : memref<1x8192xf32, #tpu.memory_space<hbm>> -> memref<8192xf32, #tpu.memory_space<hbm>>
        tpu.wait_dma2 semaphore(%run_scoped3A : memref<!tpu.dma_semaphore, #tpu.memory_space<semaphore_mem>>) src(%arg10 : memref<8192xf32, #tpu.memory_space<vmem_shared>>) dst(%dma_wait3A_54 : memref<8192xf32, #tpu.memory_space<hbm>>)
        tpu.yield
      }) : () -> ()
    } else {
    }
    %dma_wait3A = arith.constant 0 : i32
    %dma_wait3A_47 = arith.constant 0 : i32
    %dma_wait3A_48 = tpu.memref_slice %arg3[%dma_wait3A, %dma_wait3A_47] : memref<8192x128xf32, #tpu.memory_space<hbm>> -> memref<8192x128xf32, #tpu.memory_space<hbm>>
    tpu.wait_indirect_dma semaphore(%arg11 : memref<!tpu.dma_semaphore, #tpu.memory_space<semaphore_mem>>) src(%dma_wait3A_48 : memref<8192x128xf32, #tpu.memory_space<hbm>>) dst(%arg7 : memref<128x128xf32, #tpu.memory_space<vmem>>)
    "tpu.region"() ({
      %run_scoped3A = tpu.sem_alloc : memref<!tpu.dma_semaphore, #tpu.memory_space<semaphore_mem>>
      %dma_start3A_49 = arith.constant 0 : i32
      %dma_start3A_50 = tpu.memref_slice %arg4[%mul3A_2, %dma_start3A_49] : memref<4096x128xf32, #tpu.memory_space<hbm>> -> memref<128x128xf32, #tpu.memory_space<hbm>>
      %dma_start3A_51 = arith.constant 0 : i32
      %dma_start3A_52 = tpu.memref_slice %arg4[%mul3A_2, %dma_start3A_51] : memref<4096x128xf32, #tpu.memory_space<hbm>> -> memref<128x128xf32, #tpu.memory_space<hbm>>
      tpu.enqueue_dma source(%arg7 : memref<128x128xf32, #tpu.memory_space<vmem>>) target(%dma_start3A_52 : memref<128x128xf32, #tpu.memory_space<hbm>>) target_semaphore(%run_scoped3A : memref<!tpu.dma_semaphore, #tpu.memory_space<semaphore_mem>>)
      %dma_wait3A_53 = arith.constant 0 : i32
      %dma_wait3A_54 = tpu.memref_slice %arg4[%mul3A_2, %dma_wait3A_53] : memref<4096x128xf32, #tpu.memory_space<hbm>> -> memref<128x128xf32, #tpu.memory_space<hbm>>
      %dma_wait3A_55 = arith.constant 0 : i32
      %dma_wait3A_56 = tpu.memref_slice %arg4[%mul3A_2, %dma_wait3A_55] : memref<4096x128xf32, #tpu.memory_space<hbm>> -> memref<128x128xf32, #tpu.memory_space<hbm>>
      tpu.wait_dma2 semaphore(%run_scoped3A : memref<!tpu.dma_semaphore, #tpu.memory_space<semaphore_mem>>) src(%arg7 : memref<128x128xf32, #tpu.memory_space<vmem>>) dst(%dma_wait3A_56 : memref<128x128xf32, #tpu.memory_space<hbm>>)
      tpu.yield
    }) : () -> ()
    return
  }
}

module attributes {stable_mosaic.version = 14 : i64} {
  func.func @_dist_body(%arg0: i32, %arg1: memref<512x256xf32, #tpu.memory_space<vmem>>, %arg2: memref<8192x32xf32, #tpu.memory_space<vmem>>, %arg3: memref<32x256xf32, #tpu.memory_space<vmem>>, %arg4: memref<1x32xf32, #tpu.memory_space<vmem>>, %arg5: memref<1x256xf32, #tpu.memory_space<vmem>>, %arg6: memref<1x256xf32, #tpu.memory_space<vmem>>, %arg7: memref<1x1x512xi32, #tpu.memory_space<vmem>>, %arg8: memref<1x8192xf32, #tpu.memory_space<vmem>>) attributes {dimension_semantics = [#tpu.dimension_semantics<arbitrary>], iteration_bounds = array<i64: 8>, scalar_prefetch = 0 : i64, scratch_operands = 1 : i64, tpu.core_type = #tpu.core_type<tc>, window_params = [{transform_indices = @transform_0, window_bounds = array<i64: 512, 256>}, {pipeline_mode = #tpu.pipeline_mode<synchronous>, transform_indices = @transform_1, window_bounds = array<i64: 8192, 32>}, {pipeline_mode = #tpu.pipeline_mode<synchronous>, transform_indices = @transform_2, window_bounds = array<i64: 32, 256>}, {pipeline_mode = #tpu.pipeline_mode<synchronous>, transform_indices = @transform_3, window_bounds = array<i64: 1, 32>}, {pipeline_mode = #tpu.pipeline_mode<synchronous>, transform_indices = @transform_4, window_bounds = array<i64: 1, 256>}, {pipeline_mode = #tpu.pipeline_mode<synchronous>, transform_indices = @transform_5, window_bounds = array<i64: 1, 256>}, {transform_indices = @transform_6, window_bounds = array<i64: 1, 1, 512>}]} {
    %eq3A = arith.constant 0 : i32
    %eq3A_0 = arith.cmpi eq, %arg0, %eq3A : i32
    %convert_element_type3A = arith.extui %eq3A_0 : i1 to i32
    %cond3A = arith.constant 0 : i32
    %cond3A_1 = arith.cmpi ne, %convert_element_type3A, %cond3A : i32
    scf.if %cond3A_1 {
      %get3A_147 = arith.constant 0 : index
      %get3A_148 = arith.constant 0 : index
      %get3A_149 = vector.load %arg2[%get3A_147, %get3A_148] : memref<8192x32xf32, #tpu.memory_space<vmem>>, vector<8192x32xf32>
      %mul3A_150 = arith.mulf %get3A_149, %get3A_149 : vector<8192x32xf32>
      %reduce_sum3A_151 = arith.constant dense<0.000000e+00> : vector<8192xf32>
      %reduce_sum3A_152 = vector.multi_reduction <add>, %mul3A_150, %reduce_sum3A_151 [1] : vector<8192x32xf32> to vector<8192xf32>
      %broadcast_in_dim3A_153 = vector.shape_cast %reduce_sum3A_152 : vector<8192xf32> to vector<1x8192xf32>
      %swap3A_154 = arith.constant 0 : index
      %swap3A_155 = arith.constant 0 : index
      %swap3A_156 = vector.load %arg8[%swap3A_154, %swap3A_155] : memref<1x8192xf32, #tpu.memory_space<vmem>>, vector<1x8192xf32>
      tpu.vector_store %arg8[%swap3A_154, %swap3A_155], %broadcast_in_dim3A_153 {strides = array<i32>} : memref<1x8192xf32, #tpu.memory_space<vmem>>, vector<1x8192xf32>,
    } else {
    }
    %get3A = arith.constant 0 : index
    %get3A_2 = arith.constant 0 : index
    %get3A_3 = vector.load %arg1[%get3A, %get3A_2] : memref<512x256xf32, #tpu.memory_space<vmem>>, vector<512x256xf32>
    %sqrt3A = arith.constant 1.000010e+00 : f32
    %sqrt3A_4 = math.sqrt %sqrt3A : f32
    %div3A = vector.broadcast %sqrt3A_4 : f32 to vector<512x256xf32>
    %div3A_5 = arith.divf %get3A_3, %div3A : vector<512x256xf32>
    %get3A_6 = arith.constant 0 : index
    %get3A_7 = arith.constant 0 : index
    %get3A_8 = vector.load %arg5[%get3A_6, %get3A_7] : memref<1x256xf32, #tpu.memory_space<vmem>>, vector<1x256xf32>
    %mul3A = vector.broadcast %get3A_8 : vector<1x256xf32> to vector<512x256xf32>
    %mul3A_9 = arith.mulf %div3A_5, %mul3A : vector<512x256xf32>
    %get3A_10 = arith.constant 0 : index
    %get3A_11 = arith.constant 0 : index
    %get3A_12 = vector.load %arg6[%get3A_10, %get3A_11] : memref<1x256xf32, #tpu.memory_space<vmem>>, vector<1x256xf32>
    %add3A = vector.broadcast %get3A_12 : vector<1x256xf32> to vector<512x256xf32>
    %add3A_13 = arith.addf %mul3A_9, %add3A : vector<512x256xf32>
    %get3A_14 = arith.constant 0 : index
    %get3A_15 = arith.constant 0 : index
    %get3A_16 = vector.load %arg3[%get3A_14, %get3A_15] : memref<32x256xf32, #tpu.memory_space<vmem>>, vector<32x256xf32>
    %dot_general3A = arith.constant dense<0.000000e+00> : vector<512x32xf32>
    %dot_general3A_17 = tpu.matmul %add3A_13, %get3A_16, %dot_general3A {dimension_numbers = #tpu.dot_dimension_numbers<[1], [1], [0], [0], [0, 0, 1, 0], [], []>, transpose_lhs_hint = false} : vector<512x256xf32>, vector<32x256xf32>, vector<512x32xf32> -> vector<512x32xf32>
    %get3A_18 = arith.constant 0 : index
    %get3A_19 = arith.constant 0 : index
    %get3A_20 = vector.load %arg4[%get3A_18, %get3A_19] : memref<1x32xf32, #tpu.memory_space<vmem>>, vector<1x32xf32>
    %add3A_21 = vector.broadcast %get3A_20 : vector<1x32xf32> to vector<512x32xf32>
    %add3A_22 = arith.addf %dot_general3A_17, %add3A_21 : vector<512x32xf32>
    %mul3A_23 = arith.mulf %add3A_22, %add3A_22 : vector<512x32xf32>
    %reduce_sum3A = arith.constant dense<0.000000e+00> : vector<512xf32>
    %reduce_sum3A_24 = vector.multi_reduction <add>, %mul3A_23, %reduce_sum3A [1] : vector<512x32xf32> to vector<512xf32>
    %broadcast_in_dim3A = vector.shape_cast %reduce_sum3A_24 : vector<512xf32> to vector<512x1xf32>
    %get3A_25 = arith.constant 0 : index
    %get3A_26 = arith.constant 0 : index
    %get3A_27 = vector.load %arg2[%get3A_25, %get3A_26] : memref<8192x32xf32, #tpu.memory_space<vmem>>, vector<2048x32xf32>
    %dot_general3A_28 = arith.constant dense<0.000000e+00> : vector<512x2048xf32>
    %dot_general3A_29 = tpu.matmul %add3A_22, %get3A_27, %dot_general3A_28 {dimension_numbers = #tpu.dot_dimension_numbers<[1], [1], [0], [0], [0, 0, 1, 0], [], []>, transpose_lhs_hint = false} : vector<512x32xf32>, vector<2048x32xf32>, vector<512x2048xf32> -> vector<512x2048xf32>
    %get3A_30 = arith.constant 0 : index
    %get3A_31 = arith.constant 0 : index
    %get3A_32 = vector.load %arg8[%get3A_30, %get3A_31] : memref<1x8192xf32, #tpu.memory_space<vmem>>, vector<1x2048xf32>
    %add3A_33 = vector.broadcast %broadcast_in_dim3A : vector<512x1xf32> to vector<512x2048xf32>
    %add3A_34 = vector.broadcast %get3A_32 : vector<1x2048xf32> to vector<512x2048xf32>
    %add3A_35 = arith.addf %add3A_33, %add3A_34 : vector<512x2048xf32>
    %mul3A_36 = arith.constant 2.000000e+00 : f32
    %mul3A_37 = vector.broadcast %mul3A_36 : f32 to vector<512x2048xf32>
    %mul3A_38 = arith.mulf %mul3A_37, %dot_general3A_29 : vector<512x2048xf32>
    %sub3A = arith.subf %add3A_35, %mul3A_38 : vector<512x2048xf32>
    %reduce_min3A = arith.constant dense<0x7F800000> : vector<512xf32>
    %reduce_min3A_39 = vector.multi_reduction <minimumf>, %sub3A, %reduce_min3A [1] : vector<512x2048xf32> to vector<512xf32>
    %broadcast_in_dim3A_40 = vector.shape_cast %reduce_min3A_39 : vector<512xf32> to vector<512x1xf32>
    %iota3A = tpu.iota {dimensions = array<i32: 1>} : vector<512x2048xi32>
    %add3A_41 = arith.constant 0 : i32
    %add3A_42 = vector.broadcast %add3A_41 : i32 to vector<512x2048xi32>
    %add3A_43 = arith.addi %iota3A, %add3A_42 : vector<512x2048xi32>
    %eq3A_44 = vector.broadcast %broadcast_in_dim3A_40 : vector<512x1xf32> to vector<512x2048xf32>
    %eq3A_45 = arith.cmpf oeq, %sub3A, %eq3A_44 : vector<512x2048xf32>
    %jit3A = arith.constant 8192 : i32
    %broadcast_in_dim3A_46 = vector.broadcast %jit3A : i32 to vector<512x2048xi32>
    %select_n3A = arith.select %eq3A_45, %add3A_43, %broadcast_in_dim3A_46 : vector<512x2048xi1>, vector<512x2048xi32>
    %reduce_min3A_47 = arith.constant dense<2147483647> : vector<512xi32>
    %reduce_min3A_48 = vector.multi_reduction <minsi>, %select_n3A, %reduce_min3A_47 [1] : vector<512x2048xi32> to vector<512xi32>
    %get3A_49 = arith.constant 2048 : index
    %get3A_50 = arith.constant 0 : index
    %get3A_51 = vector.load %arg2[%get3A_49, %get3A_50] : memref<8192x32xf32, #tpu.memory_space<vmem>>, vector<2048x32xf32>
    %dot_general3A_52 = arith.constant dense<0.000000e+00> : vector<512x2048xf32>
    %dot_general3A_53 = tpu.matmul %add3A_22, %get3A_51, %dot_general3A_52 {dimension_numbers = #tpu.dot_dimension_numbers<[1], [1], [0], [0], [0, 0, 1, 0], [], []>, transpose_lhs_hint = false} : vector<512x32xf32>, vector<2048x32xf32>, vector<512x2048xf32> -> vector<512x2048xf32>
    %get3A_54 = arith.constant 0 : index
    %get3A_55 = arith.constant 2048 : index
    %get3A_56 = vector.load %arg8[%get3A_54, %get3A_55] : memref<1x8192xf32, #tpu.memory_space<vmem>>, vector<1x2048xf32>
    %add3A_57 = vector.broadcast %broadcast_in_dim3A : vector<512x1xf32> to vector<512x2048xf32>
    %add3A_58 = vector.broadcast %get3A_56 : vector<1x2048xf32> to vector<512x2048xf32>
    %add3A_59 = arith.addf %add3A_57, %add3A_58 : vector<512x2048xf32>
    %mul3A_60 = arith.constant 2.000000e+00 : f32
    %mul3A_61 = vector.broadcast %mul3A_60 : f32 to vector<512x2048xf32>
    %mul3A_62 = arith.mulf %mul3A_61, %dot_general3A_53 : vector<512x2048xf32>
    %sub3A_63 = arith.subf %add3A_59, %mul3A_62 : vector<512x2048xf32>
    %reduce_min3A_64 = arith.constant dense<0x7F800000> : vector<512xf32>
    %reduce_min3A_65 = vector.multi_reduction <minimumf>, %sub3A_63, %reduce_min3A_64 [1] : vector<512x2048xf32> to vector<512xf32>
    %broadcast_in_dim3A_66 = vector.shape_cast %reduce_min3A_65 : vector<512xf32> to vector<512x1xf32>
    %iota3A_67 = tpu.iota {dimensions = array<i32: 1>} : vector<512x2048xi32>
    %add3A_68 = arith.constant 2048 : i32
    %add3A_69 = vector.broadcast %add3A_68 : i32 to vector<512x2048xi32>
    %add3A_70 = arith.addi %iota3A_67, %add3A_69 : vector<512x2048xi32>
    %eq3A_71 = vector.broadcast %broadcast_in_dim3A_66 : vector<512x1xf32> to vector<512x2048xf32>
    %eq3A_72 = arith.cmpf oeq, %sub3A_63, %eq3A_71 : vector<512x2048xf32>
    %jit3A_73 = arith.constant 8192 : i32
    %broadcast_in_dim3A_74 = vector.broadcast %jit3A_73 : i32 to vector<512x2048xi32>
    %select_n3A_75 = arith.select %eq3A_72, %add3A_70, %broadcast_in_dim3A_74 : vector<512x2048xi1>, vector<512x2048xi32>
    %reduce_min3A_76 = arith.constant dense<2147483647> : vector<512xi32>
    %reduce_min3A_77 = vector.multi_reduction <minsi>, %select_n3A_75, %reduce_min3A_76 [1] : vector<512x2048xi32> to vector<512xi32>
    %lt3A = arith.cmpf olt, %broadcast_in_dim3A_66, %broadcast_in_dim3A_40 : vector<512x1xf32>
    %squeeze3A = vector.shape_cast %lt3A : vector<512x1xi1> to vector<512xi1>
    %select_n3A_78 = arith.select %squeeze3A, %reduce_min3A_77, %reduce_min3A_48 : vector<512xi1>, vector<512xi32>
    %min3A = arith.minimumf %broadcast_in_dim3A_40, %broadcast_in_dim3A_66 : vector<512x1xf32>
    %get3A_79 = arith.constant 4096 : index
    %get3A_80 = arith.constant 0 : index
    %get3A_81 = vector.load %arg2[%get3A_79, %get3A_80] : memref<8192x32xf32, #tpu.memory_space<vmem>>, vector<2048x32xf32>
    %dot_general3A_82 = arith.constant dense<0.000000e+00> : vector<512x2048xf32>
    %dot_general3A_83 = tpu.matmul %add3A_22, %get3A_81, %dot_general3A_82 {dimension_numbers = #tpu.dot_dimension_numbers<[1], [1], [0], [0], [0, 0, 1, 0], [], []>, transpose_lhs_hint = false} : vector<512x32xf32>, vector<2048x32xf32>, vector<512x2048xf32> -> vector<512x2048xf32>
    %get3A_84 = arith.constant 0 : index
    %get3A_85 = arith.constant 4096 : index
    %get3A_86 = vector.load %arg8[%get3A_84, %get3A_85] : memref<1x8192xf32, #tpu.memory_space<vmem>>, vector<1x2048xf32>
    %add3A_87 = vector.broadcast %broadcast_in_dim3A : vector<512x1xf32> to vector<512x2048xf32>
    %add3A_88 = vector.broadcast %get3A_86 : vector<1x2048xf32> to vector<512x2048xf32>
    %add3A_89 = arith.addf %add3A_87, %add3A_88 : vector<512x2048xf32>
    %mul3A_90 = arith.constant 2.000000e+00 : f32
    %mul3A_91 = vector.broadcast %mul3A_90 : f32 to vector<512x2048xf32>
    %mul3A_92 = arith.mulf %mul3A_91, %dot_general3A_83 : vector<512x2048xf32>
    %sub3A_93 = arith.subf %add3A_89, %mul3A_92 : vector<512x2048xf32>
    %reduce_min3A_94 = arith.constant dense<0x7F800000> : vector<512xf32>
    %reduce_min3A_95 = vector.multi_reduction <minimumf>, %sub3A_93, %reduce_min3A_94 [1] : vector<512x2048xf32> to vector<512xf32>
    %broadcast_in_dim3A_96 = vector.shape_cast %reduce_min3A_95 : vector<512xf32> to vector<512x1xf32>
    %iota3A_97 = tpu.iota {dimensions = array<i32: 1>} : vector<512x2048xi32>
    %add3A_98 = arith.constant 4096 : i32
    %add3A_99 = vector.broadcast %add3A_98 : i32 to vector<512x2048xi32>
    %add3A_100 = arith.addi %iota3A_97, %add3A_99 : vector<512x2048xi32>
    %eq3A_101 = vector.broadcast %broadcast_in_dim3A_96 : vector<512x1xf32> to vector<512x2048xf32>
    %eq3A_102 = arith.cmpf oeq, %sub3A_93, %eq3A_101 : vector<512x2048xf32>
    %jit3A_103 = arith.constant 8192 : i32
    %broadcast_in_dim3A_104 = vector.broadcast %jit3A_103 : i32 to vector<512x2048xi32>
    %select_n3A_105 = arith.select %eq3A_102, %add3A_100, %broadcast_in_dim3A_104 : vector<512x2048xi1>, vector<512x2048xi32>
    %reduce_min3A_106 = arith.constant dense<2147483647> : vector<512xi32>
    %reduce_min3A_107 = vector.multi_reduction <minsi>, %select_n3A_105, %reduce_min3A_106 [1] : vector<512x2048xi32> to vector<512xi32>
    %lt3A_108 = arith.cmpf olt, %broadcast_in_dim3A_96, %min3A : vector<512x1xf32>
    %squeeze3A_109 = vector.shape_cast %lt3A_108 : vector<512x1xi1> to vector<512xi1>
    %select_n3A_110 = arith.select %squeeze3A_109, %reduce_min3A_107, %select_n3A_78 : vector<512xi1>, vector<512xi32>
    %min3A_111 = arith.minimumf %min3A, %broadcast_in_dim3A_96 : vector<512x1xf32>
    %get3A_112 = arith.constant 6144 : index
    %get3A_113 = arith.constant 0 : index
    %get3A_114 = vector.load %arg2[%get3A_112, %get3A_113] : memref<8192x32xf32, #tpu.memory_space<vmem>>, vector<2048x32xf32>
    %dot_general3A_115 = arith.constant dense<0.000000e+00> : vector<512x2048xf32>
    %dot_general3A_116 = tpu.matmul %add3A_22, %get3A_114, %dot_general3A_115 {dimension_numbers = #tpu.dot_dimension_numbers<[1], [1], [0], [0], [0, 0, 1, 0], [], []>, transpose_lhs_hint = false} : vector<512x32xf32>, vector<2048x32xf32>, vector<512x2048xf32> -> vector<512x2048xf32>
    %get3A_117 = arith.constant 0 : index
    %get3A_118 = arith.constant 6144 : index
    %get3A_119 = vector.load %arg8[%get3A_117, %get3A_118] : memref<1x8192xf32, #tpu.memory_space<vmem>>, vector<1x2048xf32>
    %add3A_120 = vector.broadcast %broadcast_in_dim3A : vector<512x1xf32> to vector<512x2048xf32>
    %add3A_121 = vector.broadcast %get3A_119 : vector<1x2048xf32> to vector<512x2048xf32>
    %add3A_122 = arith.addf %add3A_120, %add3A_121 : vector<512x2048xf32>
    %mul3A_123 = arith.constant 2.000000e+00 : f32
    %mul3A_124 = vector.broadcast %mul3A_123 : f32 to vector<512x2048xf32>
    %mul3A_125 = arith.mulf %mul3A_124, %dot_general3A_116 : vector<512x2048xf32>
    %sub3A_126 = arith.subf %add3A_122, %mul3A_125 : vector<512x2048xf32>
    %reduce_min3A_127 = arith.constant dense<0x7F800000> : vector<512xf32>
    %reduce_min3A_128 = vector.multi_reduction <minimumf>, %sub3A_126, %reduce_min3A_127 [1] : vector<512x2048xf32> to vector<512xf32>
    %broadcast_in_dim3A_129 = vector.shape_cast %reduce_min3A_128 : vector<512xf32> to vector<512x1xf32>
    %iota3A_130 = tpu.iota {dimensions = array<i32: 1>} : vector<512x2048xi32>
    %add3A_131 = arith.constant 6144 : i32
    %add3A_132 = vector.broadcast %add3A_131 : i32 to vector<512x2048xi32>
    %add3A_133 = arith.addi %iota3A_130, %add3A_132 : vector<512x2048xi32>
    %eq3A_134 = vector.broadcast %broadcast_in_dim3A_129 : vector<512x1xf32> to vector<512x2048xf32>
    %eq3A_135 = arith.cmpf oeq, %sub3A_126, %eq3A_134 : vector<512x2048xf32>
    %jit3A_136 = arith.constant 8192 : i32
    %broadcast_in_dim3A_137 = vector.broadcast %jit3A_136 : i32 to vector<512x2048xi32>
    %select_n3A_138 = arith.select %eq3A_135, %add3A_133, %broadcast_in_dim3A_137 : vector<512x2048xi1>, vector<512x2048xi32>
    %reduce_min3A_139 = arith.constant dense<2147483647> : vector<512xi32>
    %reduce_min3A_140 = vector.multi_reduction <minsi>, %select_n3A_138, %reduce_min3A_139 [1] : vector<512x2048xi32> to vector<512xi32>
    %lt3A_141 = arith.cmpf olt, %broadcast_in_dim3A_129, %min3A_111 : vector<512x1xf32>
    %squeeze3A_142 = vector.shape_cast %lt3A_141 : vector<512x1xi1> to vector<512xi1>
    %select_n3A_143 = arith.select %squeeze3A_142, %reduce_min3A_140, %select_n3A_110 : vector<512xi1>, vector<512xi32>
    %reshape3A = vector.shape_cast %select_n3A_143 : vector<512xi32> to vector<1x1x512xi32>
    %swap3A = arith.constant 0 : index
    %swap3A_144 = arith.constant 0 : index
    %swap3A_145 = arith.constant 0 : index
    %swap3A_146 = vector.load %arg7[%swap3A, %swap3A_144, %swap3A_145] : memref<1x1x512xi32, #tpu.memory_space<vmem>>, vector<1x1x512xi32>
    tpu.vector_store %arg7[%swap3A, %swap3A_144, %swap3A_145], %reshape3A {strides = array<i32>} : memref<1x1x512xi32, #tpu.memory_space<vmem>>, vector<1x1x512xi32>,
    return
  }
  func.func @transform_0(%arg0: i32) -> (i32, i32) {
    %c0_i32 = arith.constant 0 : i32
    %c0_i32_0 = arith.constant 0 : i32
    return %arg0, %c0_i32 : i32, i32
  }
  func.func @transform_1(%arg0: i32) -> (i32, i32) {
    %c0_i32 = arith.constant 0 : i32
    %c0_i32_0 = arith.constant 0 : i32
    %c0_i32_1 = arith.constant 0 : i32
    return %c0_i32, %c0_i32_0 : i32, i32
  }
  func.func @transform_2(%arg0: i32) -> (i32, i32) {
    %c0_i32 = arith.constant 0 : i32
    %c0_i32_0 = arith.constant 0 : i32
    %c0_i32_1 = arith.constant 0 : i32
    return %c0_i32, %c0_i32_0 : i32, i32
  }
  func.func @transform_3(%arg0: i32) -> (i32, i32) {
    %c0_i32 = arith.constant 0 : i32
    %c0_i32_0 = arith.constant 0 : i32
    %c0_i32_1 = arith.constant 0 : i32
    return %c0_i32, %c0_i32_0 : i32, i32
  }
  func.func @transform_4(%arg0: i32) -> (i32, i32) {
    %c0_i32 = arith.constant 0 : i32
    %c0_i32_0 = arith.constant 0 : i32
    %c0_i32_1 = arith.constant 0 : i32
    return %c0_i32, %c0_i32_0 : i32, i32
  }
  func.func @transform_5(%arg0: i32) -> (i32, i32) {
    %c0_i32 = arith.constant 0 : i32
    %c0_i32_0 = arith.constant 0 : i32
    %c0_i32_1 = arith.constant 0 : i32
    return %c0_i32, %c0_i32_0 : i32, i32
  }
  func.func @transform_6(%arg0: i32) -> (i32, i32, i32) {
    %c0_i32 = arith.constant 0 : i32
    %c0_i32_0 = arith.constant 0 : i32
    %c0_i32_1 = arith.constant 0 : i32
    return %arg0, %c0_i32, %c0_i32_0 : i32, i32, i32
  }
}

module attributes {stable_mosaic.version = 14 : i64} {
  func.func @_out_body(%arg0: i32, %arg1: memref<512x256xf32, #tpu.memory_space<vmem>>, %arg2: memref<512x128xf32, #tpu.memory_space<vmem>>, %arg3: memref<256x32xf32, #tpu.memory_space<vmem>>, %arg4: memref<1x256xf32, #tpu.memory_space<vmem>>, %arg5: memref<1x32xf32, #tpu.memory_space<vmem>>, %arg6: memref<1x32xf32, #tpu.memory_space<vmem>>, %arg7: memref<2x8192xf32, #tpu.memory_space<vmem>>, %arg8: memref<512x256xf32, #tpu.memory_space<vmem>>, %arg9: memref<1x8192xf32, #tpu.memory_space<vmem>>, %arg10: memref<1x1xf32, #tpu.memory_space<smem>>) attributes {dimension_semantics = [#tpu.dimension_semantics<arbitrary>], iteration_bounds = array<i64: 8>, scalar_prefetch = 0 : i64, scratch_operands = 0 : i64, tpu.core_type = #tpu.core_type<tc>, window_params = [{transform_indices = @transform_0, window_bounds = array<i64: 512, 256>}, {transform_indices = @transform_1, window_bounds = array<i64: 512, 128>}, {pipeline_mode = #tpu.pipeline_mode<synchronous>, transform_indices = @transform_2, window_bounds = array<i64: 256, 32>}, {pipeline_mode = #tpu.pipeline_mode<synchronous>, transform_indices = @transform_3, window_bounds = array<i64: 1, 256>}, {pipeline_mode = #tpu.pipeline_mode<synchronous>, transform_indices = @transform_4, window_bounds = array<i64: 1, 32>}, {pipeline_mode = #tpu.pipeline_mode<synchronous>, transform_indices = @transform_5, window_bounds = array<i64: 1, 32>}, {pipeline_mode = #tpu.pipeline_mode<synchronous>, transform_indices = @transform_6, window_bounds = array<i64: 2, 8192>}, {transform_indices = @transform_7, window_bounds = array<i64: 512, 256>}, {pipeline_mode = #tpu.pipeline_mode<synchronous>, transform_indices = @transform_8, window_bounds = array<i64: 1, 8192>}, {transform_indices = @transform_9, window_bounds = array<i64: 1, 1>}]} {
    %get3A = arith.constant 0 : index
    %get3A_0 = arith.constant 0 : index
    %get3A_1 = vector.load %arg1[%get3A, %get3A_0] : memref<512x256xf32, #tpu.memory_space<vmem>>, vector<512x256xf32>
    %sqrt3A = arith.constant 1.000010e+00 : f32
    %sqrt3A_2 = math.sqrt %sqrt3A : f32
    %get3A_3 = arith.constant 0 : index
    %get3A_4 = arith.constant 0 : index
    %get3A_5 = vector.load %arg2[%get3A_3, %get3A_4] : memref<512x128xf32, #tpu.memory_space<vmem>>, vector<512x32xf32>
    %div3A = vector.broadcast %sqrt3A_2 : f32 to vector<512x32xf32>
    %div3A_6 = arith.divf %get3A_5, %div3A : vector<512x32xf32>
    %get3A_7 = arith.constant 0 : index
    %get3A_8 = arith.constant 0 : index
    %get3A_9 = vector.load %arg5[%get3A_7, %get3A_8] : memref<1x32xf32, #tpu.memory_space<vmem>>, vector<1x32xf32>
    %mul3A = vector.broadcast %get3A_9 : vector<1x32xf32> to vector<512x32xf32>
    %mul3A_10 = arith.mulf %div3A_6, %mul3A : vector<512x32xf32>
    %get3A_11 = arith.constant 0 : index
    %get3A_12 = arith.constant 0 : index
    %get3A_13 = vector.load %arg6[%get3A_11, %get3A_12] : memref<1x32xf32, #tpu.memory_space<vmem>>, vector<1x32xf32>
    %add3A = vector.broadcast %get3A_13 : vector<1x32xf32> to vector<512x32xf32>
    %add3A_14 = arith.addf %mul3A_10, %add3A : vector<512x32xf32>
    %get3A_15 = arith.constant 0 : index
    %get3A_16 = arith.constant 0 : index
    %get3A_17 = vector.load %arg3[%get3A_15, %get3A_16] : memref<256x32xf32, #tpu.memory_space<vmem>>, vector<256x32xf32>
    %dot_general3A = arith.constant dense<0.000000e+00> : vector<512x256xf32>
    %dot_general3A_18 = tpu.matmul %add3A_14, %get3A_17, %dot_general3A {dimension_numbers = #tpu.dot_dimension_numbers<[1], [1], [0], [0], [0, 0, 1, 0], [], []>, transpose_lhs_hint = false} : vector<512x32xf32>, vector<256x32xf32>, vector<512x256xf32> -> vector<512x256xf32>
    %get3A_19 = arith.constant 0 : index
    %get3A_20 = arith.constant 0 : index
    %get3A_21 = vector.load %arg4[%get3A_19, %get3A_20] : memref<1x256xf32, #tpu.memory_space<vmem>>, vector<1x256xf32>
    %add3A_22 = vector.broadcast %get3A_21 : vector<1x256xf32> to vector<512x256xf32>
    %add3A_23 = arith.addf %dot_general3A_18, %add3A_22 : vector<512x256xf32>
    %sub3A = arith.subf %add3A_23, %get3A_1 : vector<512x256xf32>
    %add3A_24 = arith.addf %get3A_1, %sub3A : vector<512x256xf32>
    %swap3A = arith.constant 0 : index
    %swap3A_25 = arith.constant 0 : index
    %swap3A_26 = vector.load %arg8[%swap3A, %swap3A_25] : memref<512x256xf32, #tpu.memory_space<vmem>>, vector<512x256xf32>
    tpu.vector_store %arg8[%swap3A, %swap3A_25], %add3A_24 {strides = array<i32>} : memref<512x256xf32, #tpu.memory_space<vmem>>, vector<512x256xf32>,
    %sub3A_27 = arith.subf %add3A_23, %get3A_1 : vector<512x256xf32>
    %integer_pow3A = arith.mulf %sub3A_27, %sub3A_27 : vector<512x256xf32>
    %reduce_sum3A = vector.shape_cast %integer_pow3A : vector<512x256xf32> to vector<1x512x256xf32>
    %reduce_sum3A_28 = arith.constant dense<0.000000e+00> : vector<1xf32>
    %reduce_sum3A_29 = vector.multi_reduction <add>, %reduce_sum3A, %reduce_sum3A_28 [1, 2] : vector<1x512x256xf32> to vector<1xf32>
    %reduce_sum3A_30 = vector.shape_cast %reduce_sum3A_29 : vector<1xf32> to vector<1x1x1xf32>
    %reduce_sum3A_31 = vector.extract %reduce_sum3A_30[0, 0, 0] : f32 from vector<1x1x1xf32>
    %eq3A = arith.constant 0 : i32
    %eq3A_32 = arith.cmpi eq, %arg0, %eq3A : i32
    %convert_element_type3A = arith.extui %eq3A_32 : i1 to i32
    %cond3A = arith.constant 0 : i32
    %cond3A_33 = arith.cmpi ne, %convert_element_type3A, %cond3A : i32
    scf.if %cond3A_33 {
      %get3A_38 = arith.constant 0 : index
      %get3A_39 = arith.constant 0 : index
      %get3A_40 = vector.load %arg7[%get3A_38, %get3A_39] : memref<2x8192xf32, #tpu.memory_space<vmem>>, vector<2x8192xf32>
      %reduce_sum3A_41 = arith.constant dense<0.000000e+00> : vector<8192xf32>
      %reduce_sum3A_42 = vector.multi_reduction <add>, %get3A_40, %reduce_sum3A_41 [0] : vector<2x8192xf32> to vector<8192xf32>
      %broadcast_in_dim3A = vector.shape_cast %reduce_sum3A_42 : vector<8192xf32> to vector<1x8192xf32>
      %swap3A_43 = arith.constant 0 : index
      %swap3A_44 = arith.constant 0 : index
      %swap3A_45 = vector.load %arg9[%swap3A_43, %swap3A_44] : memref<1x8192xf32, #tpu.memory_space<vmem>>, vector<1x8192xf32>
      tpu.vector_store %arg9[%swap3A_43, %swap3A_44], %broadcast_in_dim3A {strides = array<i32>} : memref<1x8192xf32, #tpu.memory_space<vmem>>, vector<1x8192xf32>,
      %swap3A_46 = arith.constant 0 : index
      %swap3A_47 = arith.constant 0 : index
      %swap3A_48 = memref.load %arg10[%swap3A_46, %swap3A_47] : memref<1x1xf32, #tpu.memory_space<smem>>
      memref.store %reduce_sum3A_31, %arg10[%swap3A_46, %swap3A_47] : memref<1x1xf32, #tpu.memory_space<smem>>
    } else {
    }
    %ne3A = arith.constant 0 : i32
    %ne3A_34 = arith.cmpi ne, %arg0, %ne3A : i32
    %convert_element_type3A_35 = arith.extui %ne3A_34 : i1 to i32
    %cond3A_36 = arith.constant 0 : i32
    %cond3A_37 = arith.cmpi ne, %convert_element_type3A_35, %cond3A_36 : i32
    scf.if %cond3A_37 {
      %get3A_38 = arith.constant 0 : index
      %get3A_39 = arith.constant 0 : index
      %get3A_40 = memref.load %arg10[%get3A_38, %get3A_39] : memref<1x1xf32, #tpu.memory_space<smem>>
      %add3A_41 = arith.addf %get3A_40, %reduce_sum3A_31 : f32
      %swap3A_42 = arith.constant 0 : index
      %swap3A_43 = arith.constant 0 : index
      %swap3A_44 = memref.load %arg10[%swap3A_42, %swap3A_43] : memref<1x1xf32, #tpu.memory_space<smem>>
      memref.store %add3A_41, %arg10[%swap3A_42, %swap3A_43] : memref<1x1xf32, #tpu.memory_space<smem>>
    } else {
    }
    return
  }
  func.func @transform_0(%arg0: i32) -> (i32, i32) {
    %c0_i32 = arith.constant 0 : i32
    %c0_i32_0 = arith.constant 0 : i32
    return %arg0, %c0_i32 : i32, i32
  }
  func.func @transform_1(%arg0: i32) -> (i32, i32) {
    %c0_i32 = arith.constant 0 : i32
    %c0_i32_0 = arith.constant 0 : i32
    return %arg0, %c0_i32 : i32, i32
  }
  func.func @transform_2(%arg0: i32) -> (i32, i32) {
    %c0_i32 = arith.constant 0 : i32
    %c0_i32_0 = arith.constant 0 : i32
    %c0_i32_1 = arith.constant 0 : i32
    return %c0_i32, %c0_i32_0 : i32, i32
  }
  func.func @transform_3(%arg0: i32) -> (i32, i32) {
    %c0_i32 = arith.constant 0 : i32
    %c0_i32_0 = arith.constant 0 : i32
    %c0_i32_1 = arith.constant 0 : i32
    return %c0_i32, %c0_i32_0 : i32, i32
  }
  func.func @transform_4(%arg0: i32) -> (i32, i32) {
    %c0_i32 = arith.constant 0 : i32
    %c0_i32_0 = arith.constant 0 : i32
    %c0_i32_1 = arith.constant 0 : i32
    return %c0_i32, %c0_i32_0 : i32, i32
  }
  func.func @transform_5(%arg0: i32) -> (i32, i32) {
    %c0_i32 = arith.constant 0 : i32
    %c0_i32_0 = arith.constant 0 : i32
    %c0_i32_1 = arith.constant 0 : i32
    return %c0_i32, %c0_i32_0 : i32, i32
  }
  func.func @transform_6(%arg0: i32) -> (i32, i32) {
    %c0_i32 = arith.constant 0 : i32
    %c0_i32_0 = arith.constant 0 : i32
    %c0_i32_1 = arith.constant 0 : i32
    return %c0_i32, %c0_i32_0 : i32, i32
  }
  func.func @transform_7(%arg0: i32) -> (i32, i32) {
    %c0_i32 = arith.constant 0 : i32
    %c0_i32_0 = arith.constant 0 : i32
    return %arg0, %c0_i32 : i32, i32
  }
  func.func @transform_8(%arg0: i32) -> (i32, i32) {
    %c0_i32 = arith.constant 0 : i32
    %c0_i32_0 = arith.constant 0 : i32
    %c0_i32_1 = arith.constant 0 : i32
    return %c0_i32, %c0_i32_0 : i32, i32
  }
  func.func @transform_9(%arg0: i32) -> (i32, i32) {
    %c0_i32 = arith.constant 0 : i32
    %c0_i32_0 = arith.constant 0 : i32
    %c0_i32_1 = arith.constant 0 : i32
    return %c0_i32, %c0_i32_0 : i32, i32
  }
}

</mosaic_0001>

<sc_bundles>
// kernel: kernel.5.cloned.1.call-start
scs
__scs_entry_jumppad:
0x0: {  	(pc) =	sbr.rel $0x88, $3  }
0x1: {  	(tag) =	ssettag $0x0;
	lr =	simm.s32 $0x1  }
0x2: {  	[smem:$0x3F97] =	sst lr;
	_ =	strace $0xD0000000  }
0x3: {  	_ = 	snop  }
0x4: {  	_ = 	snop  }
0x5: {  	_ = 	snop  }
0x6: {  	_ = 	snop  }
0x7: {  	_ = 	snop  }
__scs_overlays_trampoline_lowered:
0x8: {  	[smem:$0x3FA6] =	sst s0  }
0x9: {  	[smem:$0x3FA7] =	sst s1  }
0xa: {  	[smem:$0x3FA8] =	sst s2  }
0xb: {  	[smem:$0x3FA9] =	sst s3  }
0xc: {  	[smem:$0x3FAA] =	sst s4  }
0xd: {  	[smem:$0x3FAB] =	sst s5  }
0xe: {  	[smem:$0x3FAC] =	sst s6  }
0xf: {  	[smem:$0x3FAD] =	sst s7  }
0x10: {  	[smem:$0x3FAE] =	sst s8  }
0x11: {  	[smem:$0x3FAF] =	sst s9;
	s0 =	simm.s32 @!p0 $0x0  }
0x12: {  	s1 =	sld [smem:$0x3F95];
	s0 =	simm.s32 @p0 $0x1  }
0x13: {  	[smem:$0x3FB0] =	sst s0;
	s0 =	simm.s32 @!p1 $0x0  }
0x14: {  	s2 =	sld [smem:$0x3F94];
	s0 =	simm.s32 @p1 $0x1  }
0x15: {  	[smem:$0x3FB1] =	sst s0;
	s0 =	simm.s32 @!p2 $0x0  }
0x16: {  	s3 =	sld [smem:$0x3FDB];
	s0 =	simm.s32 @p2 $0x1  }
0x17: {  	s4 =	simm.s32 $0x1BF5;
	[smem:$0x3FB3] =	sst s0  }
0x18: {  	s0 =	sld [smem:$0x3F96];
	_ =	swait.ge [sflag:s4], $0x0  }
0x19: {  	s7 =	sld [smem:$0x3F97]  }
0x1a: {  	s8 =	sadd.s32 $0xFFFFE003, lr  }
0x1b: {  	s9 =	sadd.s32 $0xFFFFFEF7, lr;
	s5 =	simm.s32 $0xFFFFFFFF;
	p2 =	slt.u32 s8, $0xFFFFF086  }
0x1c: {  	p1 =	slt.u32 s9, $0xF7A;
	s5 =	simm.s32 @!p2 $0x0  }
0x1d: {  	s5 =	simm.s32 @p1 $0x1;
	p0 =	seq.s32 s7, s2  }
0x1e: {  	s7 =	smul.u32 @!p0 $0xF7A, s2;
	p2 =	seq.s32 @!p0 s5, $0x0  }
0x1f: {  	s9 =	smul.u32 $0xF7A, s1;
	s8 =	simm.s32 @!p0 $0x1BF5;
	p2 =	por !p2, p0  }
0x20: {  	[sflag:s8] =	ssyncset.s32 @!p0 $0xFFFFF086;
	s6 =	sadd.s32 @!p0 s3, s7;
	s7 =	simm.s32 @!p0 $0x108  }
0x21: {  	s3 =	sadd.s32 s3, s9;
	s6 =	sadd.s32 @!p0 $0x88, s6;
	s7 =	simm.s32 @p2 $0x1082  }
0x22: {  	[simem:s7], [sflag:s8] =	dma.local @!p0 [hbm:s6], $0xF7A  }
0x23: {  	s9 =	sor.u32 $0xD0000000, s2;
	s6 =	simm.s32 $0x108;
	_ =	swait.ge @!p0 [sflag:s8], $0x0  }
0x24: {  	s3 =	sadd.s32 $0x88, s3;
	s6 =	simm.s32 @!p1 $0x1082;
	[sflag:s4] =	ssyncset.s32 $0xFFFFF086  }
0x25: {  	[simem:s6], [sflag:s4] =	dma.local [hbm:s3], $0xF7A  }
0x26: {  	[smem:$0x3F97] =	sst s1;
	(tag) =	ssettag s2;
	_ =	strace s9  }
0x27: {  	s1 =	sld [smem:$0x3FA7]  }
0x28: {  	s2 =	sld [smem:$0x3FA8]  }
0x29: {  	s4 =	sld [smem:$0x3FAA]  }
0x2a: {  	p0 =	seq.s32 s5, $0x0;
	s5 =	sld [smem:$0x3FAB]  }
0x2b: {  	s6 =	sld [smem:$0x3FAC]  }
0x2c: {  	s7 =	sld [smem:$0x3FAD]  }
0x2d: {  	s3 =	simm.s32 $0x108;
	s8 =	sld [smem:$0x3FAE]  }
0x2e: {  	s3 =	simm.s32 @!p0 $0x1082;
	s9 =	sld [smem:$0x3FAF]  }
0x2f: {  	lr =	sadd.s32 s0, s3;
	s0 =	sld [smem:$0x3FA6]  }
0x30: {  	s3 =	sld [smem:$0x3FA9]  }
0x31: {  	[smem:$0x3FB2] =	sst s10  }
0x32: {  	s10 =	sld [smem:$0x3FB0];
	_ =	sdelay $0x3  }
0x33: {  	p0 =	seq.s32 s10, $0x1;
	s10 =	sld [smem:$0x3FB2];
	_ =	sdelay $0x3  }
0x34: {  	[smem:$0x3FB2] =	sst s10  }
0x35: {  	s10 =	sld [smem:$0x3FB1];
	_ =	sdelay $0x3  }
0x36: {  	p1 =	seq.s32 s10, $0x1;
	s10 =	sld [smem:$0x3FB2];
	_ =	sdelay $0x3  }
0x37: {  	[smem:$0x3FB2] =	sst s10  }
0x38: {  	s10 =	sld [smem:$0x3FB3]  }
0x39: {  	_ = 	snop;
	(pc) =	sbr.ind lr, $3  }
0x3a: {  	_ = 	snop  }
0x3b: {  	_ = 	snop  }
0x3c: {  	p2 =	seq.s32 s10, $0x1;
	s10 =	sld [smem:$0x3FB2]  }
0x3d: {  	_ =	shalt  }
0x3e: {  	_ =	shalt  }
0x3f: {  	_ =	shalt  }
0x40: {  	_ =	shalt  }
0x41: {  	_ =	shalt  }
0x42: {  	_ =	shalt  }
0x43: {  	_ =	shalt  }
0x44: {  	_ =	shalt  }
0x45: {  	_ =	shalt  }
0x46: {  	_ =	shalt  }
0x47: {  	_ =	shalt  }
0x48: {  	_ =	shalt  }
0x49: {  	_ =	shalt  }
0x4a: {  	_ =	shalt  }
0x4b: {  	_ =	shalt  }
0x4c: {  	_ =	shalt  }
0x4d: {  	_ =	shalt  }
0x4e: {  	_ =	shalt  }
0x4f: {  	_ =	shalt  }
0x50: {  	_ =	shalt  }
0x51: {  	_ =	shalt  }
0x52: {  	_ =	shalt  }
0x53: {  	_ =	shalt  }
0x54: {  	_ =	shalt  }
0x55: {  	_ =	shalt  }
0x56: {  	_ =	shalt  }
0x57: {  	_ =	shalt  }
0x58: {  	_ =	shalt  }
0x59: {  	_ =	shalt  }
0x5a: {  	_ =	shalt  }
0x5b: {  	_ =	shalt  }
0x5c: {  	_ =	shalt  }
0x5d: {  	_ =	shalt  }
0x5e: {  	_ =	shalt  }
0x5f: {  	_ =	shalt  }
0x60: {  	_ =	shalt  }
0x61: {  	_ =	shalt  }
0x62: {  	_ =	shalt  }
0x63: {  	_ =	shalt  }
0x64: {  	_ =	shalt  }
0x65: {  	_ =	shalt  }
0x66: {  	_ =	shalt  }
0x67: {  	_ =	shalt  }
0x68: {  	_ =	shalt  }
0x69: {  	_ =	shalt  }
0x6a: {  	_ =	shalt  }
0x6b: {  	_ =	shalt  }
0x6c: {  	_ =	shalt  }
0x6d: {  	_ =	shalt  }
0x6e: {  	_ =	shalt  }
0x6f: {  	_ =	shalt  }
0x70: {  	_ =	shalt  }
0x71: {  	_ =	shalt  }
0x72: {  	_ =	shalt  }
0x73: {  	_ =	shalt  }
0x74: {  	_ =	shalt  }
0x75: {  	_ =	shalt  }
0x76: {  	_ =	shalt  }
0x77: {  	_ =	shalt  }
0x78: {  	_ =	shalt  }
0x79: {  	_ =	shalt  }
0x7a: {  	_ =	shalt  }
0x7b: {  	_ =	shalt  }
0x7c: {  	_ =	shalt  }
0x7d: {  	_ =	shalt  }
0x7e: {  	_ =	shalt  }
0x7f: {  	_ =	shalt  }
0x80: {  	_ =	shalt  }
0x81: {  	_ =	shalt  }
0x82: {  	_ =	shalt  }
0x83: {  	_ =	shalt  }
0x84: {  	_ =	shalt  }
0x85: {  	_ =	shalt  }
0x86: {  	_ =	shalt  }
0x87: {  	_ =	shalt  }
.Lfunc_end0:
.L_simem_size_0:
called_computation_lowered:
.L_overlay_start_0:
0x88: {  	s2 =	sld [smem:$0x3FD9]  }
0x89: {  	s3 =	sld [smem:$0x3FFE];
	_ =	sdelay $0x1  }
0x8a: {  	s1 =	srdreg.scid  }
0x8b: {  	s0 =	sand.u32 $0x1, s1  }
0x8c: {  	s14 =	sshll.u32 s0, $0xA;
	s2 =	sadd.s32 s3, s2  }
0x8d: {  	s2 =	sadd.s32 s2, s14  }
0x8e: {  	[smem:$0x3FBE] =	sst s2  }
0x8f: {  	_ = 	snop  }
0x90: {  	s2 =	sld [smem:$0x3FD0];
	_ =	sdelay $0x2  }
0x91: {  	s15 =	simm.s32 $0xA;
	s4 =	simm.s32 $0x10  }
0x92: {  	[smem:s4], [sflag:s15] =	dma.local [hbm:s2], $0x1  }
0x93: {  	_ =	swait.eq [sflag:s15], $0x1  }
0x94: {  	s16 =	sld [smem:$0x11];
	[sflag:s15] =	ssyncset.done $0x0  }
0x95: {  	s17 =	sld [smem:$0x12];
	[sflag:s15] =	ssyncadd.s32 $0xFFFFFFFF  }
0x96: {  	s18 =	sld [smem:$0x13];
	(tm) =	ssettm $0x1  }
0x97: {  	s5 =	sld [smem:$0x3FFB];
	_ =	sdelay $0x3  }
0x98: {  	_ =	strace s5  }
0x99: {  	s5 =	sld [smem:$0x3FFC];
	_ =	sdelay $0x3  }
0x9a: {  	_ =	strace s5  }
0x9b: {  	s5 =	sld [smem:$0x3FFD];
	_ =	sdelay $0x3  }
0x9c: {  	_ =	strace s5  }
0x9d: {  	_ =	strace $0x8FFFFFFF  }
0x9e: {  	s19 =	sld [smem:$0x3FDB];
	_ =	sdelay $0x1  }
0x9f: {  	s6 =	simm.s32 $_scs_section_size  }
0xa0: {  	s7 =	simm.s32 $_size__tile_overlayer_lowered;
	s8 =	simm.s32 $_tile_overlayer_lowered  }
0xa1: {  	s22 =	simm.s32 $0x1BFF;
	s21 =	sshll.u32 s8, $0x1;
	s5 =	sadd.s32 s6, s19  }
0xa2: {  	s9 =	simm.s32 $0x0;
	s20 =	sshll.u32 s7, $0x1;
	s7 =	sadd.s32 s21, s5  }
0xa3: {  	[timem:s9], [sflag:s22] =	dma.local [hbm:s7], s20  }
0xa4: {  	_ =	swait.ge [sflag:s22], s20  }
0xa5: {  	s6 =	ssub.s32 $0x0, s20;
	[sflag:s22] =	ssyncset.done $0x0  }
0xa6: {  	[sflag:s22] =	ssyncadd.s32 s6;
	_ =	sdelay $0x1  }
0xa7: {  	s23 =	simm.s32 $0x1B8B  }
0xa8: {  	_ =	swait.ge [sflag:s23], $0x1  }
0xa9: {  	[sflag:s23] =	ssyncset.done $0x0  }
0xaa: {  	s25 =	simm.s32 $0x1B8E;
	s24 =	sld [smem:$0x3FFE];
	[sflag:s23] =	ssyncadd.s32 $0xFFFFFFFF  }
0xab: {  	s26 =	simm.s32 $execute0_lowered;
	[smem:$0x3FD2] =	sst s25  }
0xac: {  	s7 =	sshll.u32 s26, $0x1;
	_ =	strace $0x80000046;
	[dreg:$0x1] =	wrdreg $0xFFFFFFFF  }
0xad: {  	s28 =	simm.s32 $_size_execute0_lowered;
	s5 =	sadd.s32 s5, s7;
	[dreg:$0x0] =	wrdreg $0x0  }
0xae: {  	s7 =	sshll.u32 s28, $0x1;
	[dreg:$0x2] =	wrdreg s5  }
0xaf: {  	[dreg:$0x3] =	wrdreg s7  }
0xb0: {  	[dreg:$0x4] =	wrdreg $0xC0  }
0xb1: {  	_ =	task [dreg:s9], $0x5FFFF  }
0xb2: {  	[dreg:$0x1] =	wrdreg $0xFFFFFFFF  }
0xb3: {  	[dreg:$0x0] =	wrdreg $0x60  }
0xb4: {  	[dreg:$0x2] =	wrdreg s17  }
0xb5: {  	[dreg:$0x3] =	wrdreg s16  }
0xb6: {  	[dreg:$0x4] =	wrdreg s24  }
0xb7: {  	[dreg:$0x5] =	wrdreg s18  }
0xb8: {  	[dreg:$0x6] =	wrdreg $0x61000  }
0xb9: {  	[dreg:$0x7] =	wrdreg $0x9  }
0xba: {  	_ =	task.clear_ibuf [dreg:s9], $0x8FFFF;
	_ =	strace $0x90000046  }
0xbb: {  	s29 =	simm.s32 $0x9;
	_ =	strace $0x80000048  }
0xbc: {  	_ =	swait.ge [sflag:s29], $0x1  }
0xbd: {  	[sflag:s29] =	ssyncadd.s32 $0xFFFFFFFF  }
0xbe: {  	_ =	strace $0x90000048  }
0xbf: {  	_ =	sfence  }
0xc0: {  	s30 =	sld [smem:$0x0];
	_ =	sdelay $0x2  }
0xc1: {  	s31 =	sshll.u32 s1, $0xD;
	s1 =	sshrl.u32 s1, $0x2  }
0xc2: {  	s3 =	sand.u32 $0x4000, s31;
	s1 =	sadd.s32 s1, s30  }
0xc3: {  	s0 =	sor.u32 s3, s0;
	s1 =	sshll.u32 s1, $0x11  }
0xc4: {  	s0 =	sor.u32 s1, s0  }
0xc5: {  	s0 =	sadd.s32 $0x8F2B, s0  }
0xc6: {  	[sflag:s0] =	ssyncadd.remote.s32 $0x1  }
0xc7: {  	_ =	sfence.sel $0xFFFF  }
0xc8: {  	[dreg:$0x0] =	wrdreg $0xFFFFFFFF;
	(pc) =	sbr.abs _section_cstart, $3  }
0xc9: {  	[dreg:$0x1] =	wrdreg $0xFFFFFFFF  }
0xca: {  	_ =	task.clear_ibuf [dreg:s9], $0x2FFFF;
	_ =	strace $0x9FFFFFFF  }
0xcb: {  	(tm) =	ssettm $0x7FFFFFFF  }
tec
execute0_lowered:
.L_overlay_start_1:
0x0: {  	(tag) =	ssettag $0x1  }
0x1: {  	s4 =	rddreg [dreg:$0x0]  }
0x2: {  	s0 =	rddreg [dreg:$0x1]  }
0x3: {  	s5 =	rddreg [dreg:$0x2]  }
0x4: {  	s1 =	srdreg.scid;
	s6 =	rddreg [dreg:$0x3]  }
0x5: {  	s8 =	stileid.u32;
	s2 =	rddreg [dreg:$0x4];
	s3 =	simm.s32 $0x0  }
0x6: {  	s13 =	simm.s32 $0x1;
	s7 =	sand.u32 $0x1, s1;
	s1 =	rddreg [dreg:$0x5]  }
0x7: {  	s14 =	simm.s32 $0x0;
	s9 =	sshll.u32 s8, $0x8;
	[smem:$0x7FF] =	sst s3  }
0x8: {  	p0 =	sne.s32 s8, $0x0;
	s8 =	simm.s32 $0x2;
	s10 =	sshll.u32 s7, $0x7  }
0x9: {  	s11 =	ssub.s32 $0x2, s7;
	_ =	strace $0x80000047;
	s7 =	sshll.u32 s7, $0x4  }
.Ltmp0:
0xa: {  	s9 =	sor.u32 s10, s9;
	s30 =	sshrl.u32 s11, $0x1;
	(pc) =	sbr.rel .LBB2_1-.Ltmp0, $4  }
0xb: {  	s12 =	sshrl.u32 @!p0 s2, $0x3;
	s10 =	sshll.u32 s9, $0x4;
	s11 =	ssub.s32 s11, s30  }
0xc: {  	s31 =	sshrl.u32 s9, $0x3;
	s9 =	simm.s32 $0x80;
	s10 =	sadd.s32 s10, s5  }
0xd: {  	s4 =	sadd.s32 s4, s31;
	s5 =	sadd.s32 s6, s7;
	s7 =	smax.u32 s11, $0x1  }
0xe: {  	v0 =	vimm.f32 $0.0e+00;
	v1 =	vimm.f32 $1.000000000e+00;
	s11 =	simm.s32 $0x4080;
	s6 =	sadd.s32 $0x2400, s10;
	s10 =	simm.s32 $0x4100  }
.LBB2_5:
0xf: {  	[tilespmem:$0x4080] =	vst v1  }
0x10: {  	[tilespmem:$0x4090] =	vst v1  }
0x11: {  	[tilespmem:$0x40A0] =	vst v1  }
0x12: {  	[tilespmem:$0x40B0] =	vst v1  }
0x13: {  	[tilespmem:$0x40C0] =	vst v1  }
0x14: {  	[tilespmem:$0x40D0] =	vst v1  }
0x15: {  	[tilespmem:$0x40E0] =	vst v1  }
0x16: {  	[tilespmem:$0x40F0] =	vst v1  }
0x17: {  	[bflag:$0x0] =	sbarrier.arrive $0xFFFF  }
0x18: {  	[spmem:s2] =	stream.indirect.scatter.add.f32 [tilespmem:s11], [sflag:$0x2], $0x1, s3, s9, $0xb8;
	[tilespmem:$0x6300] =	vst v63  }
0x19: {  	_ =	swait.ge [sflag:s8], $0x80  }
0x1a: {  	[sflag:s8] =	ssyncset.done $0x0  }
0x1b: {  	s15 =	simm.s32 @!p0 $0x1;
	s16 =	simm.s32 @!p0 $0x20;
	[sflag:s8] =	ssyncadd.s32 $0xFFFFFF80  }
0x1c: {  	s17 =	simm.s32 @!p0 $0x10;
	s18 =	simm.s32 @!p0 $0x1C02;
	[bflag:$0x0] =	sbarrier.arrive $0xFFFF  }
0x1d: {  	[hbm:s5@s16], [sflag:s18] =	dma.strided @!p0 [spmem:s12@s17], $0x400, s15, $0x10   }
0x1e: {  	s15 =	simm.s32 @!p0 $0x2  }
0x1f: {  	_ =	swait.ge @!p0 [sflag:s15], $0x400  }
0x20: {  	[sflag:s15] =	ssyncset.done @!p0 $0x0  }
0x21: {  	[sflag:s15] =	ssyncadd.s32 @!p0 $0xFFFFFC00  }
0x22: {  	s14 =	sadd.s32 $0x1, s14;
	_ =	swait.ge [sflag:s13], $0x4000  }
0x23: {  	p1 =	sne.s32 s14, s7;
	[sflag:s13] =	ssyncset.done $0x0  }
.Ltmp1:
0x24: {  	[sflag:s13] =	ssyncadd.s32 $0xFFFFC000;
	(pc) =	sbr.rel @!p1 .LBB2_6-.Ltmp1, $4  }
0x25: {  	[hbm4b:s6+s3] =	stream.linear.scatter [tilespmem:s9], [sflag:$0x2], $0x4000, $0x38;
	[tilespmem:$0x6300] =	vst v63  }
0x26: {  	_ =	swait.ge [sflag:s8], $0x4000  }
0x27: {  	[sflag:s8] =	ssyncset.done $0x0  }
0x28: {  	[sflag:s8] =	ssyncadd.s32 $0xFFFFC000  }
.LBB2_1:
0x29: {  	[tilespmem:s3], [sflag:$0x2] =	stream.linear.gather [hbm4b:s4+s3], $0x80, $0x38;
	[tilespmem:$0x6300] =	vst v63  }
.Ltmp2:
0x2a: {  	_ = 	snop;
	(pc) =	sbr.rel @p0 .LBB2_5-.Ltmp2, $4  }
0x2b: {  	_ =	swait.ge [sflag:s8], $0x80  }
0x2c: {  	[sflag:s8] =	ssyncset.done $0x0  }
0x2d: {  	[sflag:s8] =	ssyncadd.s32 $0xFFFFFF80  }
0x2e: {  	[tilespmem:s9], [sflag:$0x1] =	stream.indirect.gather [hbm4b:s0+s9], $0x80, s3, s9, $0xb8;
	[tilespmem:$0x6300] =	vst v63  }
0x2f: {  	s15 =	simm.s32 $0x40;
	s16 =	simm.s32 $0x0  }
.LBB2_3:
0x30: {  	p1 =	sne.s32 s15, $0x7FC0;
	[tilespmem:s16+$0x4100] =	vst v0;
	s16 =	smov.u32 s15;
	s15 =	sadd.s32 $0x40, s15  }
.Ltmp3:
0x31: {  	(pc) =	sbr.rel @p1 .LBB2_3-.Ltmp3, $2  }
0x32: {  	_ =	sdelay $0x2  }
0x33: {  	s16 =	sshra.s32 s16, $0x2  }
.Ltmp4:
0x34: {  	[tilespmem:s16+$0x4100] =	vst v0;
	(pc) =	sbr.rel .LBB2_5-.Ltmp4, $4  }
0x35: {  	[spmem:s2] =	stream.linear.scatter [tilespmem:s10], [sflag:$0x2], $0x2000, $0x38;
	[tilespmem:$0x6300] =	vst v63  }
0x36: {  	_ =	swait.ge [sflag:s8], $0x2000  }
0x37: {  	[sflag:s8] =	ssyncset.done $0x0  }
0x38: {  	[sflag:s8] =	ssyncadd.s32 $0xFFFFE000  }
.LBB2_6:
0x39: {  	_ =	sfence.sel $0x180000  }
0x3a: {  	[bflag:$0x0] =	sbarrier.arrive $0xFFFF  }
0x3b: {  	_ =	strace $0x90000047  }
0x3c: {  	s0 =	sadd.s32 @!p0 $0x100000, s1;
	[bflag:$0x2] =	sbarrier.arrive $0xFFFF  }
0x3d: {  	[sflag:s0] =	ssyncadd.tile.s32 @!p0 $0x1;
	_ =	shalt  }
.Lfunc_end2:
_tile_overlayer_lowered:
.L_overlay_start_2:
0x3e: {  	(tag) =	ssettag $0x2  }
0x3f: {  	s0 =	rddreg [dreg:$0x0];
	s2 =	stileid.u32  }
0x40: {  	s1 =	rddreg [dreg:$0x1];
	p0 =	sne.s32 s2, $0x0  }
0x41: {  	s3 =	rddreg [dreg:$0x2];
	[bflag:$0x3] =	sbarrier.arrive $0xFFFF;
	s2 =	simm.s32 @!p0 $0x1C02  }
0x42: {  	[timem:s3], [sflag:s2] =	dma.local @!p0 [hbm:s0], s1  }
0x43: {  	s0 =	simm.s32 @!p0 $0x2  }
0x44: {  	_ =	swait.ge @!p0 [sflag:s0], s1  }
0x45: {  	s1 =	ssub.s32 @!p0 $0x0, s1;
	[sflag:s0] =	ssyncset.done @!p0 $0x0  }
0x46: {  	[sflag:s0] =	ssyncadd.s32 @!p0 s1  }
0x47: {  	[bflag:$0x3] =	sbarrier.arrive $0xFFFF  }
0x48: {  	_ =	shalt  }

</sc_bundles>
